<compile_context>
chip_gen: v7x
topology: tpu7x:2x2x1
jax: 0.10.2.dev20260603
libtpu: 0.0.44.dev20260713+nightly
codegen_flags: <defaults>
</compile_context>

<pallas_src>
import functools

import jax
import jax.numpy as jnp
from jax import lax
from jax.experimental import pallas as pl
from jax.experimental.pallas import tpu as pltpu
from jax.experimental.pallas import tpu_sc as plsc

B = 16384
D = 128
DIM_OUT = 1024
NC, NS = 2, 16
NW = NC * NS
BPW = B // NW
CHUNK = 128
NCHUNK = BPW // CHUNK

_sc_mesh = plsc.VectorSubcoreMesh(core_axis_name="c", subcore_axis_name="s")


@functools.partial(
    pl.kernel,
    out_type=(
        jax.ShapeDtypeStruct((B // CHUNK, CHUNK, D), jnp.float32),
        jax.ShapeDtypeStruct((B // CHUNK, CHUNK, D), jnp.float32),
    ),
    mesh=_sc_mesh,
    scratch_types=[
        pltpu.VMEM((NCHUNK, CHUNK), jnp.int32),
        pltpu.VMEM((NCHUNK, CHUNK), jnp.int32),
        pltpu.VMEM((NCHUNK, CHUNK, D), jnp.float32),
        pltpu.SemaphoreType.DMA,
    ],
)
def _sc_gather(c0_hbm, c1_hbm, t0_hbm, t1_hbm, e0_hbm, e1_hbm,
               idx0_v, idx1_v, rows_v, sem):
    wid = lax.axis_index("s") * NC + lax.axis_index("c")
    cbase = wid * NCHUNK
    pltpu.sync_copy(c0_hbm.at[pl.ds(cbase, NCHUNK)], idx0_v)
    pltpu.sync_copy(c1_hbm.at[pl.ds(cbase, NCHUNK)], idx1_v)
    for j in range(NCHUNK):
        pltpu.async_copy(t0_hbm.at[idx0_v.at[j]], rows_v.at[j], sem)
    for j in range(NCHUNK):
        pltpu.make_async_copy(t0_hbm.at[idx0_v.at[j]], rows_v.at[j], sem).wait()
    pltpu.sync_copy(rows_v, e0_hbm.at[pl.ds(cbase, NCHUNK)])
    for j in range(NCHUNK):
        pltpu.async_copy(t1_hbm.at[idx1_v.at[j]], rows_v.at[j], sem)
    for j in range(NCHUNK):
        pltpu.make_async_copy(t1_hbm.at[idx1_v.at[j]], rows_v.at[j], sem).wait()
    pltpu.sync_copy(rows_v, e1_hbm.at[pl.ds(cbase, NCHUNK)])


BLK = 2048


def _mlp_body(e0_ref, e1_ref, w0_ref, w1_ref, b_ref, o_ref):
    e0 = e0_ref[...].astype(jnp.bfloat16)
    e1 = e1_ref[...].astype(jnp.bfloat16)
    h = jnp.dot(e0, w0_ref[...], preferred_element_type=jnp.float32)
    h = h + jnp.dot(e1, w1_ref[...], preferred_element_type=jnp.float32)
    h = h + b_ref[...]
    o_ref[...] = h * jax.nn.sigmoid(h)


_mlp = pl.pallas_call(
    _mlp_body,
    grid=(B // BLK,),
    in_specs=[
        pl.BlockSpec((BLK, D), lambda i: (i, 0)),
        pl.BlockSpec((BLK, D), lambda i: (i, 0)),
        pl.BlockSpec((D, DIM_OUT), lambda i: (0, 0)),
        pl.BlockSpec((D, DIM_OUT), lambda i: (0, 0)),
        pl.BlockSpec((1, DIM_OUT), lambda i: (0, 0)),
    ],
    out_specs=pl.BlockSpec((BLK, DIM_OUT), lambda i: (i, 0)),
    out_shape=jax.ShapeDtypeStruct((B, DIM_OUT), jnp.float32),
)


@jax.jit
def kernel(cond, cond_embed0, cond_embed1, W, b):
    c0 = cond[:, 0].reshape(B // CHUNK, CHUNK)
    c1 = cond[:, 1].reshape(B // CHUNK, CHUNK)
    e0, e1 = _sc_gather(c0, c1, cond_embed0, cond_embed1)
    e0 = e0.reshape(B, D)
    e1 = e1.reshape(B, D)
    Wb = W.astype(jnp.bfloat16)
    return _mlp(e0, e1, Wb[:D], Wb[D:], b.reshape(1, DIM_OUT))

# --- scband reference (transcript-rebuilt; emitter-appended) ---
"""Pipeline reference for scband-integer-sincos-condition-embed-32976758898778 (READ-ONLY COPY).

The authoritative reference and input builder live on the scoring server;
editing this copy changes nothing except your own understanding.
"""

import jax, jax.numpy as jnp
import numpy as np

B = 16384
N_COND = 2
MAX_SIZE = [100000, 100000]
DIM_IN = 1024 // 4  # 256, already divisible by n_cond so round(256/2)*2 = 256
COND_DIM = DIM_IN * 4  # 1024
PER = DIM_IN // N_COND  # 128


def get_sincos_1d_from_seqlen(seqlen, dim):
    # standard 1d sincos position embedding: [seqlen, dim]
    half = dim // 2
    omega = jnp.arange(half, dtype=jnp.float32) / float(half)
    omega = 1.0 / (10000.0 ** omega)
    pos = jnp.arange(seqlen, dtype=jnp.float32)
    out = pos[:, None] * omega[None, :]
    return jnp.concatenate([jnp.sin(out), jnp.cos(out)], axis=1)


def setup_inputs(seed: int = 0) -> dict:
    key = jax.random.key(seed)
    k0, k1 = jax.random.split(key)
    cond = jax.random.randint(k0, (B, N_COND), 0, MAX_SIZE[0], dtype=jnp.int32)
    cond_embed0 = get_sincos_1d_from_seqlen(MAX_SIZE[0], PER)
    cond_embed1 = get_sincos_1d_from_seqlen(MAX_SIZE[1], PER)
    W = 0.02 * jax.random.normal(k1, (DIM_IN, COND_DIM), dtype=jnp.float32)
    b = jnp.zeros((COND_DIM,), dtype=jnp.float32)
    return {"cond": cond, "cond_embed0": cond_embed0, "cond_embed1": cond_embed1, "W": W, "b": b}


def reference(cond, cond_embed0, cond_embed1, W, b):
    # gather per-condition sincos embeddings, concat along feature dim
    e0 = jnp.take(cond_embed0, cond[..., 0], axis=0)
    e1 = jnp.take(cond_embed1, cond[..., 1], axis=0)
    conds = jnp.concatenate([e0, e1], axis=-1)  # [B, 256]
    # mlp: Linear(dim -> 4*dim) followed by SiLU
    h = conds @ W + b
    return h * jax.nn.sigmoid(h)

if __name__ == "__main__":
    import jax
    _d = setup_inputs()
    print(jax.jit(kernel)(*tuple(_d.values())))

</pallas_src>

<mosaic_0001>
#map = affine_map<(d0, d1) -> (0, 0)>
#map1 = affine_map<(d0, d1) -> (0, 0, 0)>
module attributes {stable_mosaic.version = 14 : i64} {
  func.func @_sc_gather(%arg0: i32, %arg1: i32, %arg2: memref<128x128xi32, #tpu.memory_space<hbm>>, %arg3: memref<128x128xi32, #tpu.memory_space<hbm>>, %arg4: memref<100000x128xf32, #tpu.memory_space<hbm>>, %arg5: memref<100000x128xf32, #tpu.memory_space<hbm>>, %arg6: memref<128x128x128xf32, #tpu.memory_space<hbm>>, %arg7: memref<128x128x128xf32, #tpu.memory_space<hbm>>, %arg8: memref<4x128xi32, #tpu.memory_space<vmem>>, %arg9: memref<4x128xi32, #tpu.memory_space<vmem>>, %arg10: memref<4x128x128xf32, #tpu.memory_space<vmem>>, %arg11: memref<!tpu.dma_semaphore, #tpu.memory_space<semaphore_mem>>) attributes {dimension_semantics = [#tpu.dimension_semantics<core_parallel>, #tpu.dimension_semantics<subcore_parallel>], iteration_bounds = array<i64: 2, 16>, scalar_prefetch = 0 : i64, scratch_operands = 4 : i64, tpu.core_type = #tpu.core_type<sc_vector_subcore>, window_params = [{transform_indices = #map}, {transform_indices = #map}, {transform_indices = #map}, {transform_indices = #map}, {transform_indices = #map1}, {transform_indices = #map1}]} {
    %mul3A = arith.constant 2 : i32
    %mul3A_0 = arith.muli %arg1, %mul3A : i32
    %add3A = arith.addi %mul3A_0, %arg0 : i32
    %mul3A_1 = arith.constant 4 : i32
    %mul3A_2 = arith.muli %add3A, %mul3A_1 : i32
    "tpu.region"() ({
      %run_scoped3A = tpu.sem_alloc : memref<!tpu.dma_semaphore, #tpu.memory_space<semaphore_mem>>
      %dma_start3A_193 = arith.constant 0 : i32
      %dma_start3A_194 = tpu.memref_slice %arg2[%mul3A_2, %dma_start3A_193] : memref<128x128xi32, #tpu.memory_space<hbm>> -> memref<4x128xi32, #tpu.memory_space<hbm>>
      %dma_start3A_195 = arith.constant 0 : i32
      %dma_start3A_196 = tpu.memref_slice %arg2[%mul3A_2, %dma_start3A_195] : memref<128x128xi32, #tpu.memory_space<hbm>> -> memref<4x128xi32, #tpu.memory_space<hbm>>
      tpu.enqueue_dma source(%dma_start3A_196 : memref<4x128xi32, #tpu.memory_space<hbm>>) target(%arg8 : memref<4x128xi32, #tpu.memory_space<vmem>>) target_semaphore(%run_scoped3A : memref<!tpu.dma_semaphore, #tpu.memory_space<semaphore_mem>>)
      %dma_wait3A_197 = arith.constant 0 : i32
      %dma_wait3A_198 = tpu.memref_slice %arg2[%mul3A_2, %dma_wait3A_197] : memref<128x128xi32, #tpu.memory_space<hbm>> -> memref<4x128xi32, #tpu.memory_space<hbm>>
      %dma_wait3A_199 = arith.constant 0 : i32
      %dma_wait3A_200 = tpu.memref_slice %arg2[%mul3A_2, %dma_wait3A_199] : memref<128x128xi32, #tpu.memory_space<hbm>> -> memref<4x128xi32, #tpu.memory_space<hbm>>
      tpu.wait_dma2 semaphore(%run_scoped3A : memref<!tpu.dma_semaphore, #tpu.memory_space<semaphore_mem>>) src(%dma_wait3A_200 : memref<4x128xi32, #tpu.memory_space<hbm>>) dst(%arg8 : memref<4x128xi32, #tpu.memory_space<vmem>>)
      tpu.yield
    }) : () -> ()
    "tpu.region"() ({
      %run_scoped3A = tpu.sem_alloc : memref<!tpu.dma_semaphore, #tpu.memory_space<semaphore_mem>>
      %dma_start3A_193 = arith.constant 0 : i32
      %dma_start3A_194 = tpu.memref_slice %arg3[%mul3A_2, %dma_start3A_193] : memref<128x128xi32, #tpu.memory_space<hbm>> -> memref<4x128xi32, #tpu.memory_space<hbm>>
      %dma_start3A_195 = arith.constant 0 : i32
      %dma_start3A_196 = tpu.memref_slice %arg3[%mul3A_2, %dma_start3A_195] : memref<128x128xi32, #tpu.memory_space<hbm>> -> memref<4x128xi32, #tpu.memory_space<hbm>>
      tpu.enqueue_dma source(%dma_start3A_196 : memref<4x128xi32, #tpu.memory_space<hbm>>) target(%arg9 : memref<4x128xi32, #tpu.memory_space<vmem>>) target_semaphore(%run_scoped3A : memref<!tpu.dma_semaphore, #tpu.memory_space<semaphore_mem>>)
      %dma_wait3A_197 = arith.constant 0 : i32
      %dma_wait3A_198 = tpu.memref_slice %arg3[%mul3A_2, %dma_wait3A_197] : memref<128x128xi32, #tpu.memory_space<hbm>> -> memref<4x128xi32, #tpu.memory_space<hbm>>
      %dma_wait3A_199 = arith.constant 0 : i32
      %dma_wait3A_200 = tpu.memref_slice %arg3[%mul3A_2, %dma_wait3A_199] : memref<128x128xi32, #tpu.memory_space<hbm>> -> memref<4x128xi32, #tpu.memory_space<hbm>>
      tpu.wait_dma2 semaphore(%run_scoped3A : memref<!tpu.dma_semaphore, #tpu.memory_space<semaphore_mem>>) src(%dma_wait3A_200 : memref<4x128xi32, #tpu.memory_space<hbm>>) dst(%arg9 : memref<4x128xi32, #tpu.memory_space<vmem>>)
      tpu.yield
    }) : () -> ()
    %dma_start3A = arith.constant 0 : i32
    %dma_start3A_3 = arith.constant 0 : i32
    %dma_start3A_4 = arith.constant 0 : i32
    %dma_start3A_5 = arith.constant 0 : i32
    %dma_start3A_6 = tpu.memref_slice %arg10[%dma_start3A_3, %dma_start3A_4, %dma_start3A_5] : memref<4x128x128xf32, #tpu.memory_space<vmem>> -> memref<1x128x128xf32, #tpu.memory_space<vmem>>
    %dma_start3A_7 = tpu.memref_squeeze %dma_start3A_6 : memref<1x128x128xf32, #tpu.memory_space<vmem>> -> memref<128x128xf32, #tpu.memory_space<vmem>>
    %dma_start3A_8 = arith.constant 0 : i32
    %dma_start3A_9 = tpu.memref_slice %arg8[%dma_start3A, %dma_start3A_8] : memref<4x128xi32, #tpu.memory_space<vmem>> -> memref<1x128xi32, #tpu.memory_space<vmem>>
    %dma_start3A_10 = tpu.memref_squeeze %dma_start3A_9 : memref<1x128xi32, #tpu.memory_space<vmem>> -> memref<128xi32, #tpu.memory_space<vmem>>
    %dma_start3A_11 = arith.constant 0 : i32
    %dma_start3A_12 = arith.constant 0 : i32
    %dma_start3A_13 = tpu.memref_slice %arg4[%dma_start3A_11, %dma_start3A_12] : memref<100000x128xf32, #tpu.memory_space<hbm>> -> memref<100000x128xf32, #tpu.memory_space<hbm>>
    tpu.enqueue_indirect_dma source(%dma_start3A_13 : memref<100000x128xf32, #tpu.memory_space<hbm>>) target(%dma_start3A_7 : memref<128x128xf32, #tpu.memory_space<vmem>>) offsets(%dma_start3A_10 : memref<128xi32, #tpu.memory_space<vmem>>) semaphore(%arg11 : memref<!tpu.dma_semaphore, #tpu.memory_space<semaphore_mem>>)
    %dma_start3A_14 = arith.constant 1 : i32
    %dma_start3A_15 = arith.constant 1 : i32
    %dma_start3A_16 = arith.constant 0 : i32
    %dma_start3A_17 = arith.constant 0 : i32
    %dma_start3A_18 = tpu.memref_slice %arg10[%dma_start3A_15, %dma_start3A_16, %dma_start3A_17] : memref<4x128x128xf32, #tpu.memory_space<vmem>> -> memref<1x128x128xf32, #tpu.memory_space<vmem>>
    %dma_start3A_19 = tpu.memref_squeeze %dma_start3A_18 : memref<1x128x128xf32, #tpu.memory_space<vmem>> -> memref<128x128xf32, #tpu.memory_space<vmem>>
    %dma_start3A_20 = arith.constant 0 : i32
    %dma_start3A_21 = tpu.memref_slice %arg8[%dma_start3A_14, %dma_start3A_20] : memref<4x128xi32, #tpu.memory_space<vmem>> -> memref<1x128xi32, #tpu.memory_space<vmem>>
    %dma_start3A_22 = tpu.memref_squeeze %dma_start3A_21 : memref<1x128xi32, #tpu.memory_space<vmem>> -> memref<128xi32, #tpu.memory_space<vmem>>
    %dma_start3A_23 = arith.constant 0 : i32
    %dma_start3A_24 = arith.constant 0 : i32
    %dma_start3A_25 = tpu.memref_slice %arg4[%dma_start3A_23, %dma_start3A_24] : memref<100000x128xf32, #tpu.memory_space<hbm>> -> memref<100000x128xf32, #tpu.memory_space<hbm>>
    tpu.enqueue_indirect_dma source(%dma_start3A_25 : memref<100000x128xf32, #tpu.memory_space<hbm>>) target(%dma_start3A_19 : memref<128x128xf32, #tpu.memory_space<vmem>>) offsets(%dma_start3A_22 : memref<128xi32, #tpu.memory_space<vmem>>) semaphore(%arg11 : memref<!tpu.dma_semaphore, #tpu.memory_space<semaphore_mem>>)
    %dma_start3A_26 = arith.constant 2 : i32
    %dma_start3A_27 = arith.constant 2 : i32
    %dma_start3A_28 = arith.constant 0 : i32
    %dma_start3A_29 = arith.constant 0 : i32
    %dma_start3A_30 = tpu.memref_slice %arg10[%dma_start3A_27, %dma_start3A_28, %dma_start3A_29] : memref<4x128x128xf32, #tpu.memory_space<vmem>> -> memref<1x128x128xf32, #tpu.memory_space<vmem>>
    %dma_start3A_31 = tpu.memref_squeeze %dma_start3A_30 : memref<1x128x128xf32, #tpu.memory_space<vmem>> -> memref<128x128xf32, #tpu.memory_space<vmem>>
    %dma_start3A_32 = arith.constant 0 : i32
    %dma_start3A_33 = tpu.memref_slice %arg8[%dma_start3A_26, %dma_start3A_32] : memref<4x128xi32, #tpu.memory_space<vmem>> -> memref<1x128xi32, #tpu.memory_space<vmem>>
    %dma_start3A_34 = tpu.memref_squeeze %dma_start3A_33 : memref<1x128xi32, #tpu.memory_space<vmem>> -> memref<128xi32, #tpu.memory_space<vmem>>
    %dma_start3A_35 = arith.constant 0 : i32
    %dma_start3A_36 = arith.constant 0 : i32
    %dma_start3A_37 = tpu.memref_slice %arg4[%dma_start3A_35, %dma_start3A_36] : memref<100000x128xf32, #tpu.memory_space<hbm>> -> memref<100000x128xf32, #tpu.memory_space<hbm>>
    tpu.enqueue_indirect_dma source(%dma_start3A_37 : memref<100000x128xf32, #tpu.memory_space<hbm>>) target(%dma_start3A_31 : memref<128x128xf32, #tpu.memory_space<vmem>>) offsets(%dma_start3A_34 : memref<128xi32, #tpu.memory_space<vmem>>) semaphore(%arg11 : memref<!tpu.dma_semaphore, #tpu.memory_space<semaphore_mem>>)
    %dma_start3A_38 = arith.constant 3 : i32
    %dma_start3A_39 = arith.constant 3 : i32
    %dma_start3A_40 = arith.constant 0 : i32
    %dma_start3A_41 = arith.constant 0 : i32
    %dma_start3A_42 = tpu.memref_slice %arg10[%dma_start3A_39, %dma_start3A_40, %dma_start3A_41] : memref<4x128x128xf32, #tpu.memory_space<vmem>> -> memref<1x128x128xf32, #tpu.memory_space<vmem>>
    %dma_start3A_43 = tpu.memref_squeeze %dma_start3A_42 : memref<1x128x128xf32, #tpu.memory_space<vmem>> -> memref<128x128xf32, #tpu.memory_space<vmem>>
    %dma_start3A_44 = arith.constant 0 : i32
    %dma_start3A_45 = tpu.memref_slice %arg8[%dma_start3A_38, %dma_start3A_44] : memref<4x128xi32, #tpu.memory_space<vmem>> -> memref<1x128xi32, #tpu.memory_space<vmem>>
    %dma_start3A_46 = tpu.memref_squeeze %dma_start3A_45 : memref<1x128xi32, #tpu.memory_space<vmem>> -> memref<128xi32, #tpu.memory_space<vmem>>
    %dma_start3A_47 = arith.constant 0 : i32
    %dma_start3A_48 = arith.constant 0 : i32
    %dma_start3A_49 = tpu.memref_slice %arg4[%dma_start3A_47, %dma_start3A_48] : memref<100000x128xf32, #tpu.memory_space<hbm>> -> memref<100000x128xf32, #tpu.memory_space<hbm>>
    tpu.enqueue_indirect_dma source(%dma_start3A_49 : memref<100000x128xf32, #tpu.memory_space<hbm>>) target(%dma_start3A_43 : memref<128x128xf32, #tpu.memory_space<vmem>>) offsets(%dma_start3A_46 : memref<128xi32, #tpu.memory_space<vmem>>) semaphore(%arg11 : memref<!tpu.dma_semaphore, #tpu.memory_space<semaphore_mem>>)
    %dma_wait3A = arith.constant 0 : i32
    %dma_wait3A_50 = arith.constant 0 : i32
    %dma_wait3A_51 = arith.constant 0 : i32
    %dma_wait3A_52 = arith.constant 0 : i32
    %dma_wait3A_53 = tpu.memref_slice %arg10[%dma_wait3A_50, %dma_wait3A_51, %dma_wait3A_52] : memref<4x128x128xf32, #tpu.memory_space<vmem>> -> memref<1x128x128xf32, #tpu.memory_space<vmem>>
    %dma_wait3A_54 = tpu.memref_squeeze %dma_wait3A_53 : memref<1x128x128xf32, #tpu.memory_space<vmem>> -> memref<128x128xf32, #tpu.memory_space<vmem>>
    %dma_wait3A_55 = arith.constant 0 : i32
    %dma_wait3A_56 = tpu.memref_slice %arg8[%dma_wait3A, %dma_wait3A_55] : memref<4x128xi32, #tpu.memory_space<vmem>> -> memref<1x128xi32, #tpu.memory_space<vmem>>
    %dma_wait3A_57 = tpu.memref_squeeze %dma_wait3A_56 : memref<1x128xi32, #tpu.memory_space<vmem>> -> memref<128xi32, #tpu.memory_space<vmem>>
    %dma_wait3A_58 = arith.constant 0 : i32
    %dma_wait3A_59 = arith.constant 0 : i32
    %dma_wait3A_60 = tpu.memref_slice %arg4[%dma_wait3A_58, %dma_wait3A_59] : memref<100000x128xf32, #tpu.memory_space<hbm>> -> memref<100000x128xf32, #tpu.memory_space<hbm>>
    tpu.wait_indirect_dma semaphore(%arg11 : memref<!tpu.dma_semaphore, #tpu.memory_space<semaphore_mem>>) src(%dma_wait3A_60 : memref<100000x128xf32, #tpu.memory_space<hbm>>) dst(%dma_wait3A_54 : memref<128x128xf32, #tpu.memory_space<vmem>>)
    %dma_wait3A_61 = arith.constant 1 : i32
    %dma_wait3A_62 = arith.constant 1 : i32
    %dma_wait3A_63 = arith.constant 0 : i32
    %dma_wait3A_64 = arith.constant 0 : i32
    %dma_wait3A_65 = tpu.memref_slice %arg10[%dma_wait3A_62, %dma_wait3A_63, %dma_wait3A_64] : memref<4x128x128xf32, #tpu.memory_space<vmem>> -> memref<1x128x128xf32, #tpu.memory_space<vmem>>
    %dma_wait3A_66 = tpu.memref_squeeze %dma_wait3A_65 : memref<1x128x128xf32, #tpu.memory_space<vmem>> -> memref<128x128xf32, #tpu.memory_space<vmem>>
    %dma_wait3A_67 = arith.constant 0 : i32
    %dma_wait3A_68 = tpu.memref_slice %arg8[%dma_wait3A_61, %dma_wait3A_67] : memref<4x128xi32, #tpu.memory_space<vmem>> -> memref<1x128xi32, #tpu.memory_space<vmem>>
    %dma_wait3A_69 = tpu.memref_squeeze %dma_wait3A_68 : memref<1x128xi32, #tpu.memory_space<vmem>> -> memref<128xi32, #tpu.memory_space<vmem>>
    %dma_wait3A_70 = arith.constant 0 : i32
    %dma_wait3A_71 = arith.constant 0 : i32
    %dma_wait3A_72 = tpu.memref_slice %arg4[%dma_wait3A_70, %dma_wait3A_71] : memref<100000x128xf32, #tpu.memory_space<hbm>> -> memref<100000x128xf32, #tpu.memory_space<hbm>>
    tpu.wait_indirect_dma semaphore(%arg11 : memref<!tpu.dma_semaphore, #tpu.memory_space<semaphore_mem>>) src(%dma_wait3A_72 : memref<100000x128xf32, #tpu.memory_space<hbm>>) dst(%dma_wait3A_66 : memref<128x128xf32, #tpu.memory_space<vmem>>)
    %dma_wait3A_73 = arith.constant 2 : i32
    %dma_wait3A_74 = arith.constant 2 : i32
    %dma_wait3A_75 = arith.constant 0 : i32
    %dma_wait3A_76 = arith.constant 0 : i32
    %dma_wait3A_77 = tpu.memref_slice %arg10[%dma_wait3A_74, %dma_wait3A_75, %dma_wait3A_76] : memref<4x128x128xf32, #tpu.memory_space<vmem>> -> memref<1x128x128xf32, #tpu.memory_space<vmem>>
    %dma_wait3A_78 = tpu.memref_squeeze %dma_wait3A_77 : memref<1x128x128xf32, #tpu.memory_space<vmem>> -> memref<128x128xf32, #tpu.memory_space<vmem>>
    %dma_wait3A_79 = arith.constant 0 : i32
    %dma_wait3A_80 = tpu.memref_slice %arg8[%dma_wait3A_73, %dma_wait3A_79] : memref<4x128xi32, #tpu.memory_space<vmem>> -> memref<1x128xi32, #tpu.memory_space<vmem>>
    %dma_wait3A_81 = tpu.memref_squeeze %dma_wait3A_80 : memref<1x128xi32, #tpu.memory_space<vmem>> -> memref<128xi32, #tpu.memory_space<vmem>>
    %dma_wait3A_82 = arith.constant 0 : i32
    %dma_wait3A_83 = arith.constant 0 : i32
    %dma_wait3A_84 = tpu.memref_slice %arg4[%dma_wait3A_82, %dma_wait3A_83] : memref<100000x128xf32, #tpu.memory_space<hbm>> -> memref<100000x128xf32, #tpu.memory_space<hbm>>
    tpu.wait_indirect_dma semaphore(%arg11 : memref<!tpu.dma_semaphore, #tpu.memory_space<semaphore_mem>>) src(%dma_wait3A_84 : memref<100000x128xf32, #tpu.memory_space<hbm>>) dst(%dma_wait3A_78 : memref<128x128xf32, #tpu.memory_space<vmem>>)
    %dma_wait3A_85 = arith.constant 3 : i32
    %dma_wait3A_86 = arith.constant 3 : i32
    %dma_wait3A_87 = arith.constant 0 : i32
    %dma_wait3A_88 = arith.constant 0 : i32
    %dma_wait3A_89 = tpu.memref_slice %arg10[%dma_wait3A_86, %dma_wait3A_87, %dma_wait3A_88] : memref<4x128x128xf32, #tpu.memory_space<vmem>> -> memref<1x128x128xf32, #tpu.memory_space<vmem>>
    %dma_wait3A_90 = tpu.memref_squeeze %dma_wait3A_89 : memref<1x128x128xf32, #tpu.memory_space<vmem>> -> memref<128x128xf32, #tpu.memory_space<vmem>>
    %dma_wait3A_91 = arith.constant 0 : i32
    %dma_wait3A_92 = tpu.memref_slice %arg8[%dma_wait3A_85, %dma_wait3A_91] : memref<4x128xi32, #tpu.memory_space<vmem>> -> memref<1x128xi32, #tpu.memory_space<vmem>>
    %dma_wait3A_93 = tpu.memref_squeeze %dma_wait3A_92 : memref<1x128xi32, #tpu.memory_space<vmem>> -> memref<128xi32, #tpu.memory_space<vmem>>
    %dma_wait3A_94 = arith.constant 0 : i32
    %dma_wait3A_95 = arith.constant 0 : i32
    %dma_wait3A_96 = tpu.memref_slice %arg4[%dma_wait3A_94, %dma_wait3A_95] : memref<100000x128xf32, #tpu.memory_space<hbm>> -> memref<100000x128xf32, #tpu.memory_space<hbm>>
    tpu.wait_indirect_dma semaphore(%arg11 : memref<!tpu.dma_semaphore, #tpu.memory_space<semaphore_mem>>) src(%dma_wait3A_96 : memref<100000x128xf32, #tpu.memory_space<hbm>>) dst(%dma_wait3A_90 : memref<128x128xf32, #tpu.memory_space<vmem>>)
    "tpu.region"() ({
      %run_scoped3A = tpu.sem_alloc : memref<!tpu.dma_semaphore, #tpu.memory_space<semaphore_mem>>
      %dma_start3A_193 = arith.constant 0 : i32
      %dma_start3A_194 = arith.constant 0 : i32
      %dma_start3A_195 = tpu.memref_slice %arg6[%mul3A_2, %dma_start3A_193, %dma_start3A_194] : memref<128x128x128xf32, #tpu.memory_space<hbm>> -> memref<4x128x128xf32, #tpu.memory_space<hbm>>
      %dma_start3A_196 = arith.constant 0 : i32
      %dma_start3A_197 = arith.constant 0 : i32
      %dma_start3A_198 = tpu.memref_slice %arg6[%mul3A_2, %dma_start3A_196, %dma_start3A_197] : memref<128x128x128xf32, #tpu.memory_space<hbm>> -> memref<4x128x128xf32, #tpu.memory_space<hbm>>
      tpu.enqueue_dma source(%arg10 : memref<4x128x128xf32, #tpu.memory_space<vmem>>) target(%dma_start3A_198 : memref<4x128x128xf32, #tpu.memory_space<hbm>>) target_semaphore(%run_scoped3A : memref<!tpu.dma_semaphore, #tpu.memory_space<semaphore_mem>>)
      %dma_wait3A_199 = arith.constant 0 : i32
      %dma_wait3A_200 = arith.constant 0 : i32
      %dma_wait3A_201 = tpu.memref_slice %arg6[%mul3A_2, %dma_wait3A_199, %dma_wait3A_200] : memref<128x128x128xf32, #tpu.memory_space<hbm>> -> memref<4x128x128xf32, #tpu.memory_space<hbm>>
      %dma_wait3A_202 = arith.constant 0 : i32
      %dma_wait3A_203 = arith.constant 0 : i32
      %dma_wait3A_204 = tpu.memref_slice %arg6[%mul3A_2, %dma_wait3A_202, %dma_wait3A_203] : memref<128x128x128xf32, #tpu.memory_space<hbm>> -> memref<4x128x128xf32, #tpu.memory_space<hbm>>
      tpu.wait_dma2 semaphore(%run_scoped3A : memref<!tpu.dma_semaphore, #tpu.memory_space<semaphore_mem>>) src(%arg10 : memref<4x128x128xf32, #tpu.memory_space<vmem>>) dst(%dma_wait3A_204 : memref<4x128x128xf32, #tpu.memory_space<hbm>>)
      tpu.yield
    }) : () -> ()
    %dma_start3A_97 = arith.constant 0 : i32
    %dma_start3A_98 = arith.constant 0 : i32
    %dma_start3A_99 = arith.constant 0 : i32
    %dma_start3A_100 = arith.constant 0 : i32
    %dma_start3A_101 = tpu.memref_slice %arg10[%dma_start3A_98, %dma_start3A_99, %dma_start3A_100] : memref<4x128x128xf32, #tpu.memory_space<vmem>> -> memref<1x128x128xf32, #tpu.memory_space<vmem>>
    %dma_start3A_102 = tpu.memref_squeeze %dma_start3A_101 : memref<1x128x128xf32, #tpu.memory_space<vmem>> -> memref<128x128xf32, #tpu.memory_space<vmem>>
    %dma_start3A_103 = arith.constant 0 : i32
    %dma_start3A_104 = tpu.memref_slice %arg9[%dma_start3A_97, %dma_start3A_103] : memref<4x128xi32, #tpu.memory_space<vmem>> -> memref<1x128xi32, #tpu.memory_space<vmem>>
    %dma_start3A_105 = tpu.memref_squeeze %dma_start3A_104 : memref<1x128xi32, #tpu.memory_space<vmem>> -> memref<128xi32, #tpu.memory_space<vmem>>
    %dma_start3A_106 = arith.constant 0 : i32
    %dma_start3A_107 = arith.constant 0 : i32
    %dma_start3A_108 = tpu.memref_slice %arg5[%dma_start3A_106, %dma_start3A_107] : memref<100000x128xf32, #tpu.memory_space<hbm>> -> memref<100000x128xf32, #tpu.memory_space<hbm>>
    tpu.enqueue_indirect_dma source(%dma_start3A_108 : memref<100000x128xf32, #tpu.memory_space<hbm>>) target(%dma_start3A_102 : memref<128x128xf32, #tpu.memory_space<vmem>>) offsets(%dma_start3A_105 : memref<128xi32, #tpu.memory_space<vmem>>) semaphore(%arg11 : memref<!tpu.dma_semaphore, #tpu.memory_space<semaphore_mem>>)
    %dma_start3A_109 = arith.constant 1 : i32
    %dma_start3A_110 = arith.constant 1 : i32
    %dma_start3A_111 = arith.constant 0 : i32
    %dma_start3A_112 = arith.constant 0 : i32
    %dma_start3A_113 = tpu.memref_slice %arg10[%dma_start3A_110, %dma_start3A_111, %dma_start3A_112] : memref<4x128x128xf32, #tpu.memory_space<vmem>> -> memref<1x128x128xf32, #tpu.memory_space<vmem>>
    %dma_start3A_114 = tpu.memref_squeeze %dma_start3A_113 : memref<1x128x128xf32, #tpu.memory_space<vmem>> -> memref<128x128xf32, #tpu.memory_space<vmem>>
    %dma_start3A_115 = arith.constant 0 : i32
    %dma_start3A_116 = tpu.memref_slice %arg9[%dma_start3A_109, %dma_start3A_115] : memref<4x128xi32, #tpu.memory_space<vmem>> -> memref<1x128xi32, #tpu.memory_space<vmem>>
    %dma_start3A_117 = tpu.memref_squeeze %dma_start3A_116 : memref<1x128xi32, #tpu.memory_space<vmem>> -> memref<128xi32, #tpu.memory_space<vmem>>
    %dma_start3A_118 = arith.constant 0 : i32
    %dma_start3A_119 = arith.constant 0 : i32
    %dma_start3A_120 = tpu.memref_slice %arg5[%dma_start3A_118, %dma_start3A_119] : memref<100000x128xf32, #tpu.memory_space<hbm>> -> memref<100000x128xf32, #tpu.memory_space<hbm>>
    tpu.enqueue_indirect_dma source(%dma_start3A_120 : memref<100000x128xf32, #tpu.memory_space<hbm>>) target(%dma_start3A_114 : memref<128x128xf32, #tpu.memory_space<vmem>>) offsets(%dma_start3A_117 : memref<128xi32, #tpu.memory_space<vmem>>) semaphore(%arg11 : memref<!tpu.dma_semaphore, #tpu.memory_space<semaphore_mem>>)
    %dma_start3A_121 = arith.constant 2 : i32
    %dma_start3A_122 = arith.constant 2 : i32
    %dma_start3A_123 = arith.constant 0 : i32
    %dma_start3A_124 = arith.constant 0 : i32
    %dma_start3A_125 = tpu.memref_slice %arg10[%dma_start3A_122, %dma_start3A_123, %dma_start3A_124] : memref<4x128x128xf32, #tpu.memory_space<vmem>> -> memref<1x128x128xf32, #tpu.memory_space<vmem>>
    %dma_start3A_126 = tpu.memref_squeeze %dma_start3A_125 : memref<1x128x128xf32, #tpu.memory_space<vmem>> -> memref<128x128xf32, #tpu.memory_space<vmem>>
    %dma_start3A_127 = arith.constant 0 : i32
    %dma_start3A_128 = tpu.memref_slice %arg9[%dma_start3A_121, %dma_start3A_127] : memref<4x128xi32, #tpu.memory_space<vmem>> -> memref<1x128xi32, #tpu.memory_space<vmem>>
    %dma_start3A_129 = tpu.memref_squeeze %dma_start3A_128 : memref<1x128xi32, #tpu.memory_space<vmem>> -> memref<128xi32, #tpu.memory_space<vmem>>
    %dma_start3A_130 = arith.constant 0 : i32
    %dma_start3A_131 = arith.constant 0 : i32
    %dma_start3A_132 = tpu.memref_slice %arg5[%dma_start3A_130, %dma_start3A_131] : memref<100000x128xf32, #tpu.memory_space<hbm>> -> memref<100000x128xf32, #tpu.memory_space<hbm>>
    tpu.enqueue_indirect_dma source(%dma_start3A_132 : memref<100000x128xf32, #tpu.memory_space<hbm>>) target(%dma_start3A_126 : memref<128x128xf32, #tpu.memory_space<vmem>>) offsets(%dma_start3A_129 : memref<128xi32, #tpu.memory_space<vmem>>) semaphore(%arg11 : memref<!tpu.dma_semaphore, #tpu.memory_space<semaphore_mem>>)
    %dma_start3A_133 = arith.constant 3 : i32
    %dma_start3A_134 = arith.constant 3 : i32
    %dma_start3A_135 = arith.constant 0 : i32
    %dma_start3A_136 = arith.constant 0 : i32
    %dma_start3A_137 = tpu.memref_slice %arg10[%dma_start3A_134, %dma_start3A_135, %dma_start3A_136] : memref<4x128x128xf32, #tpu.memory_space<vmem>> -> memref<1x128x128xf32, #tpu.memory_space<vmem>>
    %dma_start3A_138 = tpu.memref_squeeze %dma_start3A_137 : memref<1x128x128xf32, #tpu.memory_space<vmem>> -> memref<128x128xf32, #tpu.memory_space<vmem>>
    %dma_start3A_139 = arith.constant 0 : i32
    %dma_start3A_140 = tpu.memref_slice %arg9[%dma_start3A_133, %dma_start3A_139] : memref<4x128xi32, #tpu.memory_space<vmem>> -> memref<1x128xi32, #tpu.memory_space<vmem>>
    %dma_start3A_141 = tpu.memref_squeeze %dma_start3A_140 : memref<1x128xi32, #tpu.memory_space<vmem>> -> memref<128xi32, #tpu.memory_space<vmem>>
    %dma_start3A_142 = arith.constant 0 : i32
    %dma_start3A_143 = arith.constant 0 : i32
    %dma_start3A_144 = tpu.memref_slice %arg5[%dma_start3A_142, %dma_start3A_143] : memref<100000x128xf32, #tpu.memory_space<hbm>> -> memref<100000x128xf32, #tpu.memory_space<hbm>>
    tpu.enqueue_indirect_dma source(%dma_start3A_144 : memref<100000x128xf32, #tpu.memory_space<hbm>>) target(%dma_start3A_138 : memref<128x128xf32, #tpu.memory_space<vmem>>) offsets(%dma_start3A_141 : memref<128xi32, #tpu.memory_space<vmem>>) semaphore(%arg11 : memref<!tpu.dma_semaphore, #tpu.memory_space<semaphore_mem>>)
    %dma_wait3A_145 = arith.constant 0 : i32
    %dma_wait3A_146 = arith.constant 0 : i32
    %dma_wait3A_147 = arith.constant 0 : i32
    %dma_wait3A_148 = arith.constant 0 : i32
    %dma_wait3A_149 = tpu.memref_slice %arg10[%dma_wait3A_146, %dma_wait3A_147, %dma_wait3A_148] : memref<4x128x128xf32, #tpu.memory_space<vmem>> -> memref<1x128x128xf32, #tpu.memory_space<vmem>>
    %dma_wait3A_150 = tpu.memref_squeeze %dma_wait3A_149 : memref<1x128x128xf32, #tpu.memory_space<vmem>> -> memref<128x128xf32, #tpu.memory_space<vmem>>
    %dma_wait3A_151 = arith.constant 0 : i32
    %dma_wait3A_152 = tpu.memref_slice %arg9[%dma_wait3A_145, %dma_wait3A_151] : memref<4x128xi32, #tpu.memory_space<vmem>> -> memref<1x128xi32, #tpu.memory_space<vmem>>
    %dma_wait3A_153 = tpu.memref_squeeze %dma_wait3A_152 : memref<1x128xi32, #tpu.memory_space<vmem>> -> memref<128xi32, #tpu.memory_space<vmem>>
    %dma_wait3A_154 = arith.constant 0 : i32
    %dma_wait3A_155 = arith.constant 0 : i32
    %dma_wait3A_156 = tpu.memref_slice %arg5[%dma_wait3A_154, %dma_wait3A_155] : memref<100000x128xf32, #tpu.memory_space<hbm>> -> memref<100000x128xf32, #tpu.memory_space<hbm>>
    tpu.wait_indirect_dma semaphore(%arg11 : memref<!tpu.dma_semaphore, #tpu.memory_space<semaphore_mem>>) src(%dma_wait3A_156 : memref<100000x128xf32, #tpu.memory_space<hbm>>) dst(%dma_wait3A_150 : memref<128x128xf32, #tpu.memory_space<vmem>>)
    %dma_wait3A_157 = arith.constant 1 : i32
    %dma_wait3A_158 = arith.constant 1 : i32
    %dma_wait3A_159 = arith.constant 0 : i32
    %dma_wait3A_160 = arith.constant 0 : i32
    %dma_wait3A_161 = tpu.memref_slice %arg10[%dma_wait3A_158, %dma_wait3A_159, %dma_wait3A_160] : memref<4x128x128xf32, #tpu.memory_space<vmem>> -> memref<1x128x128xf32, #tpu.memory_space<vmem>>
    %dma_wait3A_162 = tpu.memref_squeeze %dma_wait3A_161 : memref<1x128x128xf32, #tpu.memory_space<vmem>> -> memref<128x128xf32, #tpu.memory_space<vmem>>
    %dma_wait3A_163 = arith.constant 0 : i32
    %dma_wait3A_164 = tpu.memref_slice %arg9[%dma_wait3A_157, %dma_wait3A_163] : memref<4x128xi32, #tpu.memory_space<vmem>> -> memref<1x128xi32, #tpu.memory_space<vmem>>
    %dma_wait3A_165 = tpu.memref_squeeze %dma_wait3A_164 : memref<1x128xi32, #tpu.memory_space<vmem>> -> memref<128xi32, #tpu.memory_space<vmem>>
    %dma_wait3A_166 = arith.constant 0 : i32
    %dma_wait3A_167 = arith.constant 0 : i32
    %dma_wait3A_168 = tpu.memref_slice %arg5[%dma_wait3A_166, %dma_wait3A_167] : memref<100000x128xf32, #tpu.memory_space<hbm>> -> memref<100000x128xf32, #tpu.memory_space<hbm>>
    tpu.wait_indirect_dma semaphore(%arg11 : memref<!tpu.dma_semaphore, #tpu.memory_space<semaphore_mem>>) src(%dma_wait3A_168 : memref<100000x128xf32, #tpu.memory_space<hbm>>) dst(%dma_wait3A_162 : memref<128x128xf32, #tpu.memory_space<vmem>>)
    %dma_wait3A_169 = arith.constant 2 : i32
    %dma_wait3A_170 = arith.constant 2 : i32
    %dma_wait3A_171 = arith.constant 0 : i32
    %dma_wait3A_172 = arith.constant 0 : i32
    %dma_wait3A_173 = tpu.memref_slice %arg10[%dma_wait3A_170, %dma_wait3A_171, %dma_wait3A_172] : memref<4x128x128xf32, #tpu.memory_space<vmem>> -> memref<1x128x128xf32, #tpu.memory_space<vmem>>
    %dma_wait3A_174 = tpu.memref_squeeze %dma_wait3A_173 : memref<1x128x128xf32, #tpu.memory_space<vmem>> -> memref<128x128xf32, #tpu.memory_space<vmem>>
    %dma_wait3A_175 = arith.constant 0 : i32
    %dma_wait3A_176 = tpu.memref_slice %arg9[%dma_wait3A_169, %dma_wait3A_175] : memref<4x128xi32, #tpu.memory_space<vmem>> -> memref<1x128xi32, #tpu.memory_space<vmem>>
    %dma_wait3A_177 = tpu.memref_squeeze %dma_wait3A_176 : memref<1x128xi32, #tpu.memory_space<vmem>> -> memref<128xi32, #tpu.memory_space<vmem>>
    %dma_wait3A_178 = arith.constant 0 : i32
    %dma_wait3A_179 = arith.constant 0 : i32
    %dma_wait3A_180 = tpu.memref_slice %arg5[%dma_wait3A_178, %dma_wait3A_179] : memref<100000x128xf32, #tpu.memory_space<hbm>> -> memref<100000x128xf32, #tpu.memory_space<hbm>>
    tpu.wait_indirect_dma semaphore(%arg11 : memref<!tpu.dma_semaphore, #tpu.memory_space<semaphore_mem>>) src(%dma_wait3A_180 : memref<100000x128xf32, #tpu.memory_space<hbm>>) dst(%dma_wait3A_174 : memref<128x128xf32, #tpu.memory_space<vmem>>)
    %dma_wait3A_181 = arith.constant 3 : i32
    %dma_wait3A_182 = arith.constant 3 : i32
    %dma_wait3A_183 = arith.constant 0 : i32
    %dma_wait3A_184 = arith.constant 0 : i32
    %dma_wait3A_185 = tpu.memref_slice %arg10[%dma_wait3A_182, %dma_wait3A_183, %dma_wait3A_184] : memref<4x128x128xf32, #tpu.memory_space<vmem>> -> memref<1x128x128xf32, #tpu.memory_space<vmem>>
    %dma_wait3A_186 = tpu.memref_squeeze %dma_wait3A_185 : memref<1x128x128xf32, #tpu.memory_space<vmem>> -> memref<128x128xf32, #tpu.memory_space<vmem>>
    %dma_wait3A_187 = arith.constant 0 : i32
    %dma_wait3A_188 = tpu.memref_slice %arg9[%dma_wait3A_181, %dma_wait3A_187] : memref<4x128xi32, #tpu.memory_space<vmem>> -> memref<1x128xi32, #tpu.memory_space<vmem>>
    %dma_wait3A_189 = tpu.memref_squeeze %dma_wait3A_188 : memref<1x128xi32, #tpu.memory_space<vmem>> -> memref<128xi32, #tpu.memory_space<vmem>>
    %dma_wait3A_190 = arith.constant 0 : i32
    %dma_wait3A_191 = arith.constant 0 : i32
    %dma_wait3A_192 = tpu.memref_slice %arg5[%dma_wait3A_190, %dma_wait3A_191] : memref<100000x128xf32, #tpu.memory_space<hbm>> -> memref<100000x128xf32, #tpu.memory_space<hbm>>
    tpu.wait_indirect_dma semaphore(%arg11 : memref<!tpu.dma_semaphore, #tpu.memory_space<semaphore_mem>>) src(%dma_wait3A_192 : memref<100000x128xf32, #tpu.memory_space<hbm>>) dst(%dma_wait3A_186 : memref<128x128xf32, #tpu.memory_space<vmem>>)
    "tpu.region"() ({
      %run_scoped3A = tpu.sem_alloc : memref<!tpu.dma_semaphore, #tpu.memory_space<semaphore_mem>>
      %dma_start3A_193 = arith.constant 0 : i32
      %dma_start3A_194 = arith.constant 0 : i32
      %dma_start3A_195 = tpu.memref_slice %arg7[%mul3A_2, %dma_start3A_193, %dma_start3A_194] : memref<128x128x128xf32, #tpu.memory_space<hbm>> -> memref<4x128x128xf32, #tpu.memory_space<hbm>>
      %dma_start3A_196 = arith.constant 0 : i32
      %dma_start3A_197 = arith.constant 0 : i32
      %dma_start3A_198 = tpu.memref_slice %arg7[%mul3A_2, %dma_start3A_196, %dma_start3A_197] : memref<128x128x128xf32, #tpu.memory_space<hbm>> -> memref<4x128x128xf32, #tpu.memory_space<hbm>>
      tpu.enqueue_dma source(%arg10 : memref<4x128x128xf32, #tpu.memory_space<vmem>>) target(%dma_start3A_198 : memref<4x128x128xf32, #tpu.memory_space<hbm>>) target_semaphore(%run_scoped3A : memref<!tpu.dma_semaphore, #tpu.memory_space<semaphore_mem>>)
      %dma_wait3A_199 = arith.constant 0 : i32
      %dma_wait3A_200 = arith.constant 0 : i32
      %dma_wait3A_201 = tpu.memref_slice %arg7[%mul3A_2, %dma_wait3A_199, %dma_wait3A_200] : memref<128x128x128xf32, #tpu.memory_space<hbm>> -> memref<4x128x128xf32, #tpu.memory_space<hbm>>
      %dma_wait3A_202 = arith.constant 0 : i32
      %dma_wait3A_203 = arith.constant 0 : i32
      %dma_wait3A_204 = tpu.memref_slice %arg7[%mul3A_2, %dma_wait3A_202, %dma_wait3A_203] : memref<128x128x128xf32, #tpu.memory_space<hbm>> -> memref<4x128x128xf32, #tpu.memory_space<hbm>>
      tpu.wait_dma2 semaphore(%run_scoped3A : memref<!tpu.dma_semaphore, #tpu.memory_space<semaphore_mem>>) src(%arg10 : memref<4x128x128xf32, #tpu.memory_space<vmem>>) dst(%dma_wait3A_204 : memref<4x128x128xf32, #tpu.memory_space<hbm>>)
      tpu.yield
    }) : () -> ()
    return
  }
}

module attributes {stable_mosaic.version = 14 : i64} {
  func.func @_mlp_body(%arg0: i32, %arg1: memref<2048x128xf32, #tpu.memory_space<vmem>>, %arg2: memref<2048x128xf32, #tpu.memory_space<vmem>>, %arg3: memref<128x1024xbf16, #tpu.memory_space<vmem>>, %arg4: memref<128x1024xbf16, #tpu.memory_space<vmem>>, %arg5: memref<1x1024xf32, #tpu.memory_space<vmem>>, %arg6: memref<2048x1024xf32, #tpu.memory_space<vmem>>) attributes {dimension_semantics = [#tpu.dimension_semantics<arbitrary>], iteration_bounds = array<i64: 8>, scalar_prefetch = 0 : i64, scratch_operands = 0 : i64, tpu.core_type = #tpu.core_type<tc>, window_params = [{transform_indices = @transform_0, window_bounds = array<i64: 2048, 128>}, {transform_indices = @transform_1, window_bounds = array<i64: 2048, 128>}, {pipeline_mode = #tpu.pipeline_mode<synchronous>, transform_indices = @transform_2, window_bounds = array<i64: 128, 1024>}, {pipeline_mode = #tpu.pipeline_mode<synchronous>, transform_indices = @transform_3, window_bounds = array<i64: 128, 1024>}, {pipeline_mode = #tpu.pipeline_mode<synchronous>, transform_indices = @transform_4, window_bounds = array<i64: 1, 1024>}, {transform_indices = @transform_5, window_bounds = array<i64: 2048, 1024>}]} {
    %get3A = arith.constant 0 : index
    %get3A_0 = arith.constant 0 : index
    %get3A_1 = vector.load %arg1[%get3A, %get3A_0] : memref<2048x128xf32, #tpu.memory_space<vmem>>, vector<2048x128xf32>
    %convert_element_type3A = arith.truncf %get3A_1 : vector<2048x128xf32> to vector<2048x128xbf16>
    %get3A_2 = arith.constant 0 : index
    %get3A_3 = arith.constant 0 : index
    %get3A_4 = vector.load %arg2[%get3A_2, %get3A_3] : memref<2048x128xf32, #tpu.memory_space<vmem>>, vector<2048x128xf32>
    %convert_element_type3A_5 = arith.truncf %get3A_4 : vector<2048x128xf32> to vector<2048x128xbf16>
    %get3A_6 = arith.constant 0 : index
    %get3A_7 = arith.constant 0 : index
    %get3A_8 = vector.load %arg3[%get3A_6, %get3A_7] : memref<128x1024xbf16, #tpu.memory_space<vmem>>, vector<128x1024xbf16>
    %dot_general3A = arith.constant dense<0.000000e+00> : vector<2048x1024xf32>
    %dot_general3A_9 = tpu.matmul %convert_element_type3A, %get3A_8, %dot_general3A {dimension_numbers = #tpu.dot_dimension_numbers<[1], [0], [0], [1], [0, 0, 1, 1], [], []>, transpose_lhs_hint = false} : vector<2048x128xbf16>, vector<128x1024xbf16>, vector<2048x1024xf32> -> vector<2048x1024xf32>
    %get3A_10 = arith.constant 0 : index
    %get3A_11 = arith.constant 0 : index
    %get3A_12 = vector.load %arg4[%get3A_10, %get3A_11] : memref<128x1024xbf16, #tpu.memory_space<vmem>>, vector<128x1024xbf16>
    %dot_general3A_13 = arith.constant dense<0.000000e+00> : vector<2048x1024xf32>
    %dot_general3A_14 = tpu.matmul %convert_element_type3A_5, %get3A_12, %dot_general3A_13 {dimension_numbers = #tpu.dot_dimension_numbers<[1], [0], [0], [1], [0, 0, 1, 1], [], []>, transpose_lhs_hint = false} : vector<2048x128xbf16>, vector<128x1024xbf16>, vector<2048x1024xf32> -> vector<2048x1024xf32>
    %add3A = arith.addf %dot_general3A_9, %dot_general3A_14 : vector<2048x1024xf32>
    %get3A_15 = arith.constant 0 : index
    %get3A_16 = arith.constant 0 : index
    %get3A_17 = vector.load %arg5[%get3A_15, %get3A_16] : memref<1x1024xf32, #tpu.memory_space<vmem>>, vector<1x1024xf32>
    %add3A_18 = vector.broadcast %get3A_17 : vector<1x1024xf32> to vector<2048x1024xf32>
    %add3A_19 = arith.addf %add3A, %add3A_18 : vector<2048x1024xf32>
    %logistic3A = arith.negf %add3A_19 : vector<2048x1024xf32>
    %logistic3A_20 = math.exp %logistic3A : vector<2048x1024xf32>
    %logistic3A_21 = arith.constant 1.000000e+00 : f32
    %logistic3A_22 = vector.broadcast %logistic3A_21 : f32 to vector<2048x1024xf32>
    %logistic3A_23 = arith.addf %logistic3A_22, %logistic3A_20 : vector<2048x1024xf32>
    %logistic3A_24 = arith.divf %logistic3A_22, %logistic3A_23 : vector<2048x1024xf32>
    %mul3A = arith.mulf %add3A_19, %logistic3A_24 : vector<2048x1024xf32>
    %swap3A = arith.constant 0 : index
    %swap3A_25 = arith.constant 0 : index
    %swap3A_26 = vector.load %arg6[%swap3A, %swap3A_25] : memref<2048x1024xf32, #tpu.memory_space<vmem>>, vector<2048x1024xf32>
    tpu.vector_store %arg6[%swap3A, %swap3A_25], %mul3A {strides = array<i32>} : memref<2048x1024xf32, #tpu.memory_space<vmem>>, vector<2048x1024xf32>,
    return
  }
  func.func @transform_0(%arg0: i32) -> (i32, i32) {
    %c0_i32 = arith.constant 0 : i32
    %c0_i32_0 = arith.constant 0 : i32
    return %arg0, %c0_i32 : i32, i32
  }
  func.func @transform_1(%arg0: i32) -> (i32, i32) {
    %c0_i32 = arith.constant 0 : i32
    %c0_i32_0 = arith.constant 0 : i32
    return %arg0, %c0_i32 : i32, i32
  }
  func.func @transform_2(%arg0: i32) -> (i32, i32) {
    %c0_i32 = arith.constant 0 : i32
    %c0_i32_0 = arith.constant 0 : i32
    %c0_i32_1 = arith.constant 0 : i32
    return %c0_i32, %c0_i32_0 : i32, i32
  }
  func.func @transform_3(%arg0: i32) -> (i32, i32) {
    %c0_i32 = arith.constant 0 : i32
    %c0_i32_0 = arith.constant 0 : i32
    %c0_i32_1 = arith.constant 0 : i32
    return %c0_i32, %c0_i32_0 : i32, i32
  }
  func.func @transform_4(%arg0: i32) -> (i32, i32) {
    %c0_i32 = arith.constant 0 : i32
    %c0_i32_0 = arith.constant 0 : i32
    %c0_i32_1 = arith.constant 0 : i32
    return %c0_i32, %c0_i32_0 : i32, i32
  }
  func.func @transform_5(%arg0: i32) -> (i32, i32) {
    %c0_i32 = arith.constant 0 : i32
    %c0_i32_0 = arith.constant 0 : i32
    return %arg0, %c0_i32 : i32, i32
  }
}

</mosaic_0001>

<sc_bundles>
// kernel: kernel.4.cloned.1.call-start
scs
__scs_entry_jumppad:
0x0: {  	(pc) =	sbr.rel $0x88, $3  }
0x1: {  	(tag) =	ssettag $0x0;
	lr =	simm.s32 $0x1  }
0x2: {  	[smem:$0x3F9C] =	sst lr;
	_ =	strace $0xD0000000  }
0x3: {  	_ = 	snop  }
0x4: {  	_ = 	snop  }
0x5: {  	_ = 	snop  }
0x6: {  	_ = 	snop  }
0x7: {  	_ = 	snop  }
__scs_overlays_trampoline_lowered:
0x8: {  	[smem:$0x3FAB] =	sst s0  }
0x9: {  	[smem:$0x3FAC] =	sst s1  }
0xa: {  	[smem:$0x3FAD] =	sst s2  }
0xb: {  	[smem:$0x3FAE] =	sst s3  }
0xc: {  	[smem:$0x3FAF] =	sst s4  }
0xd: {  	[smem:$0x3FB0] =	sst s5  }
0xe: {  	[smem:$0x3FB1] =	sst s6  }
0xf: {  	[smem:$0x3FB2] =	sst s7  }
0x10: {  	[smem:$0x3FB3] =	sst s8  }
0x11: {  	[smem:$0x3FB4] =	sst s9;
	s0 =	simm.s32 @!p0 $0x0  }
0x12: {  	s1 =	sld [smem:$0x3F9A];
	s0 =	simm.s32 @p0 $0x1  }
0x13: {  	[smem:$0x3FB5] =	sst s0;
	s0 =	simm.s32 @!p1 $0x0  }
0x14: {  	s2 =	sld [smem:$0x3F99];
	s0 =	simm.s32 @p1 $0x1  }
0x15: {  	[smem:$0x3FB6] =	sst s0;
	s0 =	simm.s32 @!p2 $0x0  }
0x16: {  	s3 =	sld [smem:$0x3FDB];
	s0 =	simm.s32 @p2 $0x1  }
0x17: {  	s4 =	simm.s32 $0x1BF5;
	[smem:$0x3FB8] =	sst s0  }
0x18: {  	s0 =	sld [smem:$0x3F9B];
	_ =	swait.ge [sflag:s4], $0x0  }
0x19: {  	s7 =	sld [smem:$0x3F9C]  }
0x1a: {  	s8 =	sadd.s32 $0xFFFFE003, lr  }
0x1b: {  	s9 =	sadd.s32 $0xFFFFFEF7, lr;
	s5 =	simm.s32 $0xFFFFFFFF;
	p2 =	slt.u32 s8, $0xFFFFF086  }
0x1c: {  	p1 =	slt.u32 s9, $0xF7A;
	s5 =	simm.s32 @!p2 $0x0  }
0x1d: {  	s5 =	simm.s32 @p1 $0x1;
	p0 =	seq.s32 s7, s2  }
0x1e: {  	s7 =	smul.u32 @!p0 $0xF7A, s2;
	p2 =	seq.s32 @!p0 s5, $0x0  }
0x1f: {  	s9 =	smul.u32 $0xF7A, s1;
	s8 =	simm.s32 @!p0 $0x1BF5;
	p2 =	por !p2, p0  }
0x20: {  	[sflag:s8] =	ssyncset.s32 @!p0 $0xFFFFF086;
	s6 =	sadd.s32 @!p0 s3, s7;
	s7 =	simm.s32 @!p0 $0x108  }
0x21: {  	s3 =	sadd.s32 s3, s9;
	s6 =	sadd.s32 @!p0 $0x88, s6;
	s7 =	simm.s32 @p2 $0x1082  }
0x22: {  	[simem:s7], [sflag:s8] =	dma.local @!p0 [hbm:s6], $0xF7A  }
0x23: {  	s9 =	sor.u32 $0xD0000000, s2;
	s6 =	simm.s32 $0x108;
	_ =	swait.ge @!p0 [sflag:s8], $0x0  }
0x24: {  	s3 =	sadd.s32 $0x88, s3;
	s6 =	simm.s32 @!p1 $0x1082;
	[sflag:s4] =	ssyncset.s32 $0xFFFFF086  }
0x25: {  	[simem:s6], [sflag:s4] =	dma.local [hbm:s3], $0xF7A  }
0x26: {  	[smem:$0x3F9C] =	sst s1;
	(tag) =	ssettag s2;
	_ =	strace s9  }
0x27: {  	s1 =	sld [smem:$0x3FAC]  }
0x28: {  	s2 =	sld [smem:$0x3FAD]  }
0x29: {  	s4 =	sld [smem:$0x3FAF]  }
0x2a: {  	p0 =	seq.s32 s5, $0x0;
	s5 =	sld [smem:$0x3FB0]  }
0x2b: {  	s6 =	sld [smem:$0x3FB1]  }
0x2c: {  	s7 =	sld [smem:$0x3FB2]  }
0x2d: {  	s3 =	simm.s32 $0x108;
	s8 =	sld [smem:$0x3FB3]  }
0x2e: {  	s3 =	simm.s32 @!p0 $0x1082;
	s9 =	sld [smem:$0x3FB4]  }
0x2f: {  	lr =	sadd.s32 s0, s3;
	s0 =	sld [smem:$0x3FAB]  }
0x30: {  	s3 =	sld [smem:$0x3FAE]  }
0x31: {  	[smem:$0x3FB7] =	sst s10  }
0x32: {  	s10 =	sld [smem:$0x3FB5];
	_ =	sdelay $0x3  }
0x33: {  	p0 =	seq.s32 s10, $0x1;
	s10 =	sld [smem:$0x3FB7];
	_ =	sdelay $0x3  }
0x34: {  	[smem:$0x3FB7] =	sst s10  }
0x35: {  	s10 =	sld [smem:$0x3FB6];
	_ =	sdelay $0x3  }
0x36: {  	p1 =	seq.s32 s10, $0x1;
	s10 =	sld [smem:$0x3FB7];
	_ =	sdelay $0x3  }
0x37: {  	[smem:$0x3FB7] =	sst s10  }
0x38: {  	s10 =	sld [smem:$0x3FB8]  }
0x39: {  	_ = 	snop;
	(pc) =	sbr.ind lr, $3  }
0x3a: {  	_ = 	snop  }
0x3b: {  	_ = 	snop  }
0x3c: {  	p2 =	seq.s32 s10, $0x1;
	s10 =	sld [smem:$0x3FB7]  }
0x3d: {  	_ =	shalt  }
0x3e: {  	_ =	shalt  }
0x3f: {  	_ =	shalt  }
0x40: {  	_ =	shalt  }
0x41: {  	_ =	shalt  }
0x42: {  	_ =	shalt  }
0x43: {  	_ =	shalt  }
0x44: {  	_ =	shalt  }
0x45: {  	_ =	shalt  }
0x46: {  	_ =	shalt  }
0x47: {  	_ =	shalt  }
0x48: {  	_ =	shalt  }
0x49: {  	_ =	shalt  }
0x4a: {  	_ =	shalt  }
0x4b: {  	_ =	shalt  }
0x4c: {  	_ =	shalt  }
0x4d: {  	_ =	shalt  }
0x4e: {  	_ =	shalt  }
0x4f: {  	_ =	shalt  }
0x50: {  	_ =	shalt  }
0x51: {  	_ =	shalt  }
0x52: {  	_ =	shalt  }
0x53: {  	_ =	shalt  }
0x54: {  	_ =	shalt  }
0x55: {  	_ =	shalt  }
0x56: {  	_ =	shalt  }
0x57: {  	_ =	shalt  }
0x58: {  	_ =	shalt  }
0x59: {  	_ =	shalt  }
0x5a: {  	_ =	shalt  }
0x5b: {  	_ =	shalt  }
0x5c: {  	_ =	shalt  }
0x5d: {  	_ =	shalt  }
0x5e: {  	_ =	shalt  }
0x5f: {  	_ =	shalt  }
0x60: {  	_ =	shalt  }
0x61: {  	_ =	shalt  }
0x62: {  	_ =	shalt  }
0x63: {  	_ =	shalt  }
0x64: {  	_ =	shalt  }
0x65: {  	_ =	shalt  }
0x66: {  	_ =	shalt  }
0x67: {  	_ =	shalt  }
0x68: {  	_ =	shalt  }
0x69: {  	_ =	shalt  }
0x6a: {  	_ =	shalt  }
0x6b: {  	_ =	shalt  }
0x6c: {  	_ =	shalt  }
0x6d: {  	_ =	shalt  }
0x6e: {  	_ =	shalt  }
0x6f: {  	_ =	shalt  }
0x70: {  	_ =	shalt  }
0x71: {  	_ =	shalt  }
0x72: {  	_ =	shalt  }
0x73: {  	_ =	shalt  }
0x74: {  	_ =	shalt  }
0x75: {  	_ =	shalt  }
0x76: {  	_ =	shalt  }
0x77: {  	_ =	shalt  }
0x78: {  	_ =	shalt  }
0x79: {  	_ =	shalt  }
0x7a: {  	_ =	shalt  }
0x7b: {  	_ =	shalt  }
0x7c: {  	_ =	shalt  }
0x7d: {  	_ =	shalt  }
0x7e: {  	_ =	shalt  }
0x7f: {  	_ =	shalt  }
0x80: {  	_ =	shalt  }
0x81: {  	_ =	shalt  }
0x82: {  	_ =	shalt  }
0x83: {  	_ =	shalt  }
0x84: {  	_ =	shalt  }
0x85: {  	_ =	shalt  }
0x86: {  	_ =	shalt  }
0x87: {  	_ =	shalt  }
.Lfunc_end0:
.L_simem_size_0:
called_computation_lowered:
.L_overlay_start_0:
0x88: {  	s2 =	sld [smem:$0x3FD9]  }
0x89: {  	s3 =	sld [smem:$0x3FFE];
	_ =	sdelay $0x1  }
0x8a: {  	s1 =	srdreg.scid  }
0x8b: {  	s0 =	sand.u32 $0x1, s1  }
0x8c: {  	s17 =	sshll.u32 s0, $0xA;
	s2 =	sadd.s32 s3, s2  }
0x8d: {  	s2 =	sadd.s32 s2, s17  }
0x8e: {  	[smem:$0x3FC3] =	sst s2  }
0x8f: {  	_ = 	snop  }
0x90: {  	s2 =	sld [smem:$0x3FC8]  }
0x91: {  	s18 =	sld [smem:$0x3FC7]  }
0x92: {  	s4 =	sld [smem:$0x3FD0];
	(tm) =	ssettm $0x1  }
0x93: {  	s5 =	sld [smem:$0x3FFB];
	_ =	sdelay $0x3  }
0x94: {  	_ =	strace s5  }
0x95: {  	s5 =	sld [smem:$0x3FFC];
	_ =	sdelay $0x3  }
0x96: {  	_ =	strace s5  }
0x97: {  	s5 =	sld [smem:$0x3FFD];
	_ =	sdelay $0x3  }
0x98: {  	_ =	strace s5  }
0x99: {  	_ =	strace $0x8FFFFFFF  }
0x9a: {  	s19 =	sld [smem:$0x3FDB];
	_ =	sdelay $0x1  }
0x9b: {  	s6 =	simm.s32 $_scs_section_size  }
0x9c: {  	s7 =	simm.s32 $_size__tile_overlayer_lowered;
	s8 =	simm.s32 $_tile_overlayer_lowered  }
0x9d: {  	s22 =	simm.s32 $0x1BFF;
	s21 =	sshll.u32 s8, $0x1;
	s5 =	sadd.s32 s6, s19  }
0x9e: {  	s9 =	simm.s32 $0x0;
	s20 =	sshll.u32 s7, $0x1;
	s7 =	sadd.s32 s21, s5  }
0x9f: {  	[timem:s9], [sflag:s22] =	dma.local [hbm:s7], s20  }
0xa0: {  	_ =	swait.ge [sflag:s22], s20  }
0xa1: {  	s6 =	ssub.s32 $0x0, s20;
	[sflag:s22] =	ssyncset.done $0x0  }
0xa2: {  	[sflag:s22] =	ssyncadd.s32 s6;
	_ =	sdelay $0x1  }
0xa3: {  	s23 =	simm.s32 $0x1B8B  }
0xa4: {  	_ =	swait.ge [sflag:s23], $0x1  }
0xa5: {  	[sflag:s23] =	ssyncset.done $0x0  }
0xa6: {  	s25 =	simm.s32 $0x1B8E;
	s24 =	sld [smem:$0x3FFE];
	[sflag:s23] =	ssyncadd.s32 $0xFFFFFFFF  }
0xa7: {  	s26 =	simm.s32 $execute0_lowered;
	[smem:$0x3FD2] =	sst s25  }
0xa8: {  	s7 =	sshll.u32 s26, $0x1;
	_ =	strace $0x80000046;
	[dreg:$0x1] =	wrdreg $0xFFFFFFFF  }
0xa9: {  	s28 =	simm.s32 $_size_execute0_lowered;
	s5 =	sadd.s32 s5, s7;
	[dreg:$0x0] =	wrdreg $0x0  }
0xaa: {  	s7 =	sshll.u32 s28, $0x1;
	[dreg:$0x2] =	wrdreg s5  }
0xab: {  	[dreg:$0x3] =	wrdreg s7  }
0xac: {  	[dreg:$0x4] =	wrdreg $0xC0  }
0xad: {  	_ =	task [dreg:s9], $0x5FFFF  }
0xae: {  	[dreg:$0x1] =	wrdreg $0xFFFFFFFF  }
0xaf: {  	[dreg:$0x0] =	wrdreg $0x60  }
0xb0: {  	[dreg:$0x2] =	wrdreg s24  }
0xb1: {  	[dreg:$0x3] =	wrdreg s2  }
0xb2: {  	[dreg:$0x4] =	wrdreg s18  }
0xb3: {  	[dreg:$0x5] =	wrdreg s4  }
0xb4: {  	[dreg:$0x6] =	wrdreg $0x9  }
0xb5: {  	_ =	task.clear_ibuf [dreg:s9], $0x7FFFF;
	_ =	strace $0x90000046  }
0xb6: {  	s29 =	simm.s32 $0x9;
	_ =	strace $0x80000048  }
0xb7: {  	_ =	swait.ge [sflag:s29], $0x1  }
0xb8: {  	[sflag:s29] =	ssyncadd.s32 $0xFFFFFFFF  }
0xb9: {  	_ =	strace $0x90000048  }
0xba: {  	_ =	sfence  }
0xbb: {  	s30 =	sld [smem:$0x0];
	_ =	sdelay $0x2  }
0xbc: {  	s31 =	sshll.u32 s1, $0xD;
	s1 =	sshrl.u32 s1, $0x2  }
0xbd: {  	s3 =	sand.u32 $0x4000, s31;
	s1 =	sadd.s32 s1, s30  }
0xbe: {  	s0 =	sor.u32 s3, s0;
	s1 =	sshll.u32 s1, $0x11  }
0xbf: {  	s0 =	sor.u32 s1, s0  }
0xc0: {  	s0 =	sadd.s32 $0x8F2B, s0  }
0xc1: {  	[sflag:s0] =	ssyncadd.remote.s32 $0x1  }
0xc2: {  	_ =	sfence.sel $0xFFFF  }
0xc3: {  	[dreg:$0x0] =	wrdreg $0xFFFFFFFF;
	(pc) =	sbr.abs _section_cstart, $3  }
0xc4: {  	[dreg:$0x1] =	wrdreg $0xFFFFFFFF  }
0xc5: {  	_ =	task.clear_ibuf [dreg:s9], $0x2FFFF;
	_ =	strace $0x9FFFFFFF  }
0xc6: {  	(tm) =	ssettm $0x7FFFFFFF  }
0xc7: {  	_ =	shalt  }
tec
execute0_lowered:
.L_overlay_start_1:
0x0: {  	(tag) =	ssettag $0x1  }
0x1: {  	s21 =	rddreg [dreg:$0x0]  }
0x2: {  	s1 =	rddreg [dreg:$0x1];
	s2 =	srdreg.scid  }
0x3: {  	s3 =	rddreg [dreg:$0x2];
	s0 =	stileid.u32;
	s22 =	sand.u32 $0x1, s2  }
0x4: {  	s17 =	rddreg [dreg:$0x3];
	s5 =	sshll.u32 s0, $0x7;
	s6 =	sshll.u32 s22, $0x6  }
0x5: {  	s4 =	simm.s32 $0x0;
	s2 =	rddreg [dreg:$0x4];
	s5 =	sor.u32 s6, s5  }
0x6: {  	[smem:$0x7FF] =	sst s4;
	s7 =	sadd.s32 s5, s21  }
0x7: {  	_ =	strace $0x80000047;
	s5 =	simm.s32 $0x2;
	s6 =	sadd.s32 $0x1C00, s7  }
0x8: {  	[tilespmem:s4], [sflag:$0x2] =	stream.linear.gather [hbm4b:s6+s4], $0x200, $0x38;
	[tilespmem:$0x10400] =	vst v63  }
0x9: {  	_ =	swait.ge [sflag:s5], $0x200  }
0xa: {  	[sflag:s5] =	ssyncset.done $0x0  }
0xb: {  	s8 =	simm.s32 $0x200;
	s7 =	sadd.s32 $0x1400, s7;
	[sflag:s5] =	ssyncadd.s32 $0xFFFFFE00  }
0xc: {  	[tilespmem:s8], [sflag:$0x2] =	stream.linear.gather [hbm4b:s7+s4], $0x200, $0x38;
	[tilespmem:$0x10400] =	vst v63  }
0xd: {  	_ =	swait.ge [sflag:s5], $0x200  }
0xe: {  	[sflag:s5] =	ssyncset.done $0x0  }
0xf: {  	s9 =	simm.s32 $0x80;
	s10 =	simm.s32 $0x400;
	[sflag:s5] =	ssyncadd.s32 $0xFFFFFE00  }
0x10: {  	[tilespmem:s10], [sflag:$0x1] =	stream.indirect.gather [hbm4b:s1+s9], $0x80, s4, s9, $0xb8;
	[tilespmem:$0x10400] =	vst v63  }
0x11: {  	s11 =	simm.s32 $0x4400  }
0x12: {  	[tilespmem:s11], [sflag:$0x1] =	stream.indirect.gather [hbm4b:s1+s9], $0x80, s9, s9, $0xb8;
	[tilespmem:$0x10400] =	vst v63  }
0x13: {  	s12 =	simm.s32 $0x100;
	s13 =	simm.s32 $0x8400  }
0x14: {  	[tilespmem:s13], [sflag:$0x1] =	stream.indirect.gather [hbm4b:s1+s9], $0x80, s12, s9, $0xb8;
	[tilespmem:$0x10400] =	vst v63  }
0x15: {  	s14 =	simm.s32 $0x180;
	s15 =	simm.s32 $0xC400;
	s16 =	simm.s32 $0x1  }
0x16: {  	[tilespmem:s15], [sflag:$0x1] =	stream.indirect.gather [hbm4b:s1+s9], $0x80, s14, s9, $0xb8;
	[tilespmem:$0x10400] =	vst v63  }
0x17: {  	_ =	swait.ge [sflag:s16], $0x4000  }
0x18: {  	[sflag:s16] =	ssyncset.done $0x0  }
0x19: {  	[sflag:s16] =	ssyncadd.s32 $0xFFFFC000  }
0x1a: {  	_ =	swait.ge [sflag:s16], $0x4000  }
0x1b: {  	[sflag:s16] =	ssyncset.done $0x0  }
0x1c: {  	[sflag:s16] =	ssyncadd.s32 $0xFFFFC000  }
0x1d: {  	_ =	swait.ge [sflag:s16], $0x4000  }
0x1e: {  	[sflag:s16] =	ssyncset.done $0x0  }
0x1f: {  	[sflag:s16] =	ssyncadd.s32 $0xFFFFC000  }
0x20: {  	s18 =	sshll.u32 s0, $0xE;
	s19 =	sshll.u32 s22, $0xD;
	_ =	swait.ge [sflag:s16], $0x4000  }
0x21: {  	s23 =	sor.u32 s19, s18;
	[sflag:s16] =	ssyncset.done $0x0  }
0x22: {  	s17 =	sadd.s32 s17, s23;
	[sflag:s16] =	ssyncadd.s32 $0xFFFFC000  }
0x23: {  	[hbm4b:s17+s4] =	stream.linear.scatter [tilespmem:s10], [sflag:$0x2], $0x10000, $0x38;
	[tilespmem:$0x10400] =	vst v63  }
0x24: {  	_ =	swait.ge [sflag:s5], $0x10000  }
0x25: {  	[sflag:s5] =	ssyncset.done $0x0  }
0x26: {  	[sflag:s5] =	ssyncadd.s32 $0xFFFF0000  }
0x27: {  	[tilespmem:s10], [sflag:$0x1] =	stream.indirect.gather [hbm4b:s3+s9], $0x80, s8, s9, $0xb8;
	[tilespmem:$0x10400] =	vst v63  }
0x28: {  	s18 =	simm.s32 $0x280  }
0x29: {  	[tilespmem:s11], [sflag:$0x1] =	stream.indirect.gather [hbm4b:s3+s9], $0x80, s18, s9, $0xb8;
	[tilespmem:$0x10400] =	vst v63  }
0x2a: {  	s19 =	simm.s32 $0x300  }
0x2b: {  	[tilespmem:s13], [sflag:$0x1] =	stream.indirect.gather [hbm4b:s3+s9], $0x80, s19, s9, $0xb8;
	[tilespmem:$0x10400] =	vst v63  }
0x2c: {  	s20 =	simm.s32 $0x380  }
0x2d: {  	[tilespmem:s15], [sflag:$0x1] =	stream.indirect.gather [hbm4b:s3+s9], $0x80, s20, s9, $0xb8;
	[tilespmem:$0x10400] =	vst v63  }
0x2e: {  	_ =	swait.ge [sflag:s16], $0x4000  }
0x2f: {  	[sflag:s16] =	ssyncset.done $0x0  }
0x30: {  	[sflag:s16] =	ssyncadd.s32 $0xFFFFC000  }
0x31: {  	_ =	swait.ge [sflag:s16], $0x4000  }
0x32: {  	[sflag:s16] =	ssyncset.done $0x0  }
0x33: {  	s22 =	ssub.s32 $0x2, s22;
	[sflag:s16] =	ssyncadd.s32 $0xFFFFC000  }
0x34: {  	s24 =	sshrl.u32 s22, $0x1;
	_ =	swait.ge [sflag:s16], $0x4000  }
0x35: {  	s22 =	ssub.s32 s22, s24;
	[sflag:s16] =	ssyncset.done $0x0  }
0x36: {  	s22 =	smax.u32 s22, $0x1;
	[sflag:s16] =	ssyncadd.s32 $0xFFFFC000  }
0x37: {  	p0 =	sne.s32 s22, $0x1;
	_ =	swait.ge [sflag:s16], $0x4000  }
.Ltmp0:
0x38: {  	s21 =	sadd.s32 s23, s21;
	[sflag:s16] =	ssyncset.done $0x0;
	(pc) =	sbr.rel @!p0 .LBB2_2-.Ltmp0, $4  }
0x39: {  	s21 =	sadd.s32 $0x2400, s21;
	[sflag:s16] =	ssyncadd.s32 $0xFFFFC000  }
0x3a: {  	[hbm4b:s21+s4] =	stream.linear.scatter [tilespmem:s10], [sflag:$0x2], $0x10000, $0x38;
	[tilespmem:$0x10400] =	vst v63  }
0x3b: {  	_ =	swait.ge [sflag:s5], $0x10000  }
0x3c: {  	s22 =	sadd.s32 $0xFFFFFFFF, s22;
	[sflag:s5] =	ssyncset.done $0x0  }
.LBB2_1:
0x3d: {  	p0 =	sne.s32 s22, $0x1;
	s22 =	sadd.s32 $0xFFFFFFFF, s22;
	[sflag:s5] =	ssyncadd.s32 $0xFFFF0000  }
0x3e: {  	[tilespmem:s4], [sflag:$0x2] =	stream.linear.gather [hbm4b:s6+s4], $0x200, $0x38;
	[tilespmem:$0x10400] =	vst v63  }
0x3f: {  	_ =	swait.ge [sflag:s5], $0x200  }
0x40: {  	[sflag:s5] =	ssyncset.done $0x0  }
0x41: {  	[sflag:s5] =	ssyncadd.s32 $0xFFFFFE00  }
0x42: {  	[tilespmem:s8], [sflag:$0x2] =	stream.linear.gather [hbm4b:s7+s4], $0x200, $0x38;
	[tilespmem:$0x10400] =	vst v63  }
0x43: {  	_ =	swait.ge [sflag:s5], $0x200  }
0x44: {  	[sflag:s5] =	ssyncset.done $0x0  }
0x45: {  	[sflag:s5] =	ssyncadd.s32 $0xFFFFFE00  }
0x46: {  	[tilespmem:s10], [sflag:$0x1] =	stream.indirect.gather [hbm4b:s1+s9], $0x80, s4, s9, $0xb8;
	[tilespmem:$0x10400] =	vst v63  }
0x47: {  	_ = 	snop  }
0x48: {  	[tilespmem:s11], [sflag:$0x1] =	stream.indirect.gather [hbm4b:s1+s9], $0x80, s9, s9, $0xb8;
	[tilespmem:$0x10400] =	vst v63  }
0x49: {  	_ = 	snop  }
0x4a: {  	[tilespmem:s13], [sflag:$0x1] =	stream.indirect.gather [hbm4b:s1+s9], $0x80, s12, s9, $0xb8;
	[tilespmem:$0x10400] =	vst v63  }
0x4b: {  	_ = 	snop  }
0x4c: {  	[tilespmem:s15], [sflag:$0x1] =	stream.indirect.gather [hbm4b:s1+s9], $0x80, s14, s9, $0xb8;
	[tilespmem:$0x10400] =	vst v63  }
0x4d: {  	_ =	swait.ge [sflag:s16], $0x4000  }
0x4e: {  	[sflag:s16] =	ssyncset.done $0x0  }
0x4f: {  	[sflag:s16] =	ssyncadd.s32 $0xFFFFC000  }
0x50: {  	_ =	swait.ge [sflag:s16], $0x4000  }
0x51: {  	[sflag:s16] =	ssyncset.done $0x0  }
0x52: {  	[sflag:s16] =	ssyncadd.s32 $0xFFFFC000  }
0x53: {  	_ =	swait.ge [sflag:s16], $0x4000  }
0x54: {  	[sflag:s16] =	ssyncset.done $0x0  }
0x55: {  	[sflag:s16] =	ssyncadd.s32 $0xFFFFC000  }
0x56: {  	_ =	swait.ge [sflag:s16], $0x4000  }
0x57: {  	[sflag:s16] =	ssyncset.done $0x0  }
0x58: {  	[sflag:s16] =	ssyncadd.s32 $0xFFFFC000  }
0x59: {  	[hbm4b:s17+s4] =	stream.linear.scatter [tilespmem:s10], [sflag:$0x2], $0x10000, $0x38;
	[tilespmem:$0x10400] =	vst v63  }
0x5a: {  	_ =	swait.ge [sflag:s5], $0x10000  }
0x5b: {  	[sflag:s5] =	ssyncset.done $0x0  }
0x5c: {  	[sflag:s5] =	ssyncadd.s32 $0xFFFF0000  }
0x5d: {  	[tilespmem:s10], [sflag:$0x1] =	stream.indirect.gather [hbm4b:s3+s9], $0x80, s8, s9, $0xb8;
	[tilespmem:$0x10400] =	vst v63  }
0x5e: {  	_ = 	snop  }
0x5f: {  	[tilespmem:s11], [sflag:$0x1] =	stream.indirect.gather [hbm4b:s3+s9], $0x80, s18, s9, $0xb8;
	[tilespmem:$0x10400] =	vst v63  }
0x60: {  	_ = 	snop  }
0x61: {  	[tilespmem:s13], [sflag:$0x1] =	stream.indirect.gather [hbm4b:s3+s9], $0x80, s19, s9, $0xb8;
	[tilespmem:$0x10400] =	vst v63  }
0x62: {  	_ = 	snop  }
0x63: {  	[tilespmem:s15], [sflag:$0x1] =	stream.indirect.gather [hbm4b:s3+s9], $0x80, s20, s9, $0xb8;
	[tilespmem:$0x10400] =	vst v63  }
0x64: {  	_ =	swait.ge [sflag:s16], $0x4000  }
0x65: {  	[sflag:s16] =	ssyncset.done $0x0  }
0x66: {  	[sflag:s16] =	ssyncadd.s32 $0xFFFFC000  }
0x67: {  	_ =	swait.ge [sflag:s16], $0x4000  }
0x68: {  	[sflag:s16] =	ssyncset.done $0x0  }
0x69: {  	[sflag:s16] =	ssyncadd.s32 $0xFFFFC000  }
0x6a: {  	_ =	swait.ge [sflag:s16], $0x4000  }
0x6b: {  	[sflag:s16] =	ssyncset.done $0x0  }
0x6c: {  	[sflag:s16] =	ssyncadd.s32 $0xFFFFC000  }
0x6d: {  	_ =	swait.ge [sflag:s16], $0x4000  }
.Ltmp1:
0x6e: {  	[sflag:s16] =	ssyncset.done $0x0;
	(pc) =	sbr.rel @p0 .LBB2_1-.Ltmp1, $4  }
0x6f: {  	[sflag:s16] =	ssyncadd.s32 $0xFFFFC000  }
0x70: {  	[hbm4b:s21+s4] =	stream.linear.scatter [tilespmem:s10], [sflag:$0x2], $0x10000, $0x38;
	[tilespmem:$0x10400] =	vst v63  }
0x71: {  	_ =	swait.ge [sflag:s5], $0x10000  }
0x72: {  	[sflag:s5] =	ssyncset.done $0x0  }
.LBB2_2:
0x73: {  	[sflag:s5] =	ssyncadd.s32 $0xFFFF0000  }
0x74: {  	_ =	sfence.sel $0x180000  }
0x75: {  	[bflag:$0x0] =	sbarrier.arrive $0xFFFF  }
0x76: {  	p0 =	sne.s32 s0, $0x0;
	_ =	strace $0x90000047  }
0x77: {  	s0 =	sadd.s32 @!p0 $0x100000, s2;
	[bflag:$0x2] =	sbarrier.arrive $0xFFFF  }
0x78: {  	[sflag:s0] =	ssyncadd.tile.s32 @!p0 $0x1;
	_ =	shalt  }
.Lfunc_end2:
_tile_overlayer_lowered:
.L_overlay_start_2:
0x79: {  	(tag) =	ssettag $0x2  }
0x7a: {  	s0 =	rddreg [dreg:$0x0];
	s2 =	stileid.u32  }
0x7b: {  	s1 =	rddreg [dreg:$0x1];
	p0 =	sne.s32 s2, $0x0  }
0x7c: {  	s3 =	rddreg [dreg:$0x2];
	[bflag:$0x3] =	sbarrier.arrive $0xFFFF;
	s2 =	simm.s32 @!p0 $0x1C02  }
0x7d: {  	[timem:s3], [sflag:s2] =	dma.local @!p0 [hbm:s0], s1  }
0x7e: {  	s0 =	simm.s32 @!p0 $0x2  }
0x7f: {  	_ =	swait.ge @!p0 [sflag:s0], s1  }
0x80: {  	s1 =	ssub.s32 @!p0 $0x0, s1;
	[sflag:s0] =	ssyncset.done @!p0 $0x0  }
0x81: {  	[sflag:s0] =	ssyncadd.s32 @!p0 s1  }
0x82: {  	[bflag:$0x3] =	sbarrier.arrive $0xFFFF  }
0x83: {  	_ =	shalt  }

</sc_bundles>
